<compile_context>
chip_gen: v7x
topology: tpu7x:2x2x1
jax: 0.10.2.dev20260603
libtpu: 0.0.44.dev20260713+nightly
codegen_flags: <defaults>
</compile_context>

<pallas_src>
import functools

import jax
import jax.numpy as jnp
from jax import lax
from jax.experimental import pallas as pl
from jax.experimental.pallas import tpu as pltpu
from jax.experimental.pallas import tpu_sc as plsc

TEMP = 0.1
EPS = 1e-12

B = 4096
D = 32
DP = 128
BM = 512
CHUNK = 128
VU = 7176
VI = 10728
BT = 2 * B


def _prep_body(ut_ref, it_ref, uid_ref, iid_ref, tab_ref, ids_ref):
    ut = ut_ref[...]
    un = jnp.sqrt(jnp.sum(ut * ut, axis=0, keepdims=True))
    tab_ref[:VU, :D] = (ut / jnp.maximum(un, EPS)).T
    it = it_ref[...]
    inorm = jnp.sqrt(jnp.sum(it * it, axis=0, keepdims=True))
    tab_ref[VU:, :D] = (it / jnp.maximum(inorm, EPS)).T
    ids_ref[:B] = uid_ref[...]
    ids_ref[B:] = iid_ref[...] + VU


def _prep(u_table, i_table, u_ids, i_ids):
    return pl.pallas_call(
        _prep_body,
        out_shape=[
            jax.ShapeDtypeStruct((VU + VI, DP), jnp.float32),
            jax.ShapeDtypeStruct((BT,), jnp.int32),
        ],
    )(u_table.T, i_table.T, u_ids, i_ids)


def _sc_gather(ids, tab):
    info = plsc.get_sparse_core_info()
    nc, ns = info.num_cores, info.num_subcores
    nw = nc * ns
    b_per_w = BT // nw
    nchunk = b_per_w // CHUNK

    mesh = plsc.VectorSubcoreMesh(core_axis_name="c", subcore_axis_name="s")

    @functools.partial(
        pl.kernel,
        mesh=mesh,
        compiler_params=pltpu.CompilerParams(use_tc_tiling_on_sc=False),
        out_type=jax.ShapeDtypeStruct((BT, DP), jnp.float32),
        scratch_types=[
            pltpu.VMEM((b_per_w,), jnp.int32),
            pltpu.VMEM((b_per_w, DP), jnp.float32),
            pltpu.SemaphoreType.DMA,
            pltpu.SemaphoreType.DMA,
        ],
    )
    def gather_k(ids_hbm, tab_hbm, emb_out, idx_v, rows_v, idsem, gsem):
        wid = lax.axis_index("s") * nc + lax.axis_index("c")
        base = wid * b_per_w
        pltpu.async_copy(ids_hbm.at[pl.ds(base, b_per_w)], idx_v,
                         idsem).wait()
        gathers = []
        for c in range(nchunk):
            gathers.append(pltpu.async_copy(
                tab_hbm.at[idx_v.at[pl.ds(c * CHUNK, CHUNK)]],
                rows_v.at[pl.ds(c * CHUNK, CHUNK)], gsem))
        for g in gathers:
            g.wait()
        pltpu.async_copy(rows_v, emb_out.at[pl.ds(base, b_per_w)],
                         gsem).wait()

    return gather_k(ids, tab)


def _tc_body(u_ref, i_ref, out_ref):
    u = u_ref[:, :D]
    i = i_ref[:, :D]
    out_ref[...] = lax.dot_general(
        u, i, (((1,), (1,)), ((), ())),
        preferred_element_type=jnp.float32,
    ) * (1.0 / TEMP)


def kernel(u_ids, i_ids, u_table, i_table):
    tab, ids = _prep(u_table, i_table,
                     u_ids.astype(jnp.int32), i_ids.astype(jnp.int32))
    emb = _sc_gather(ids, tab)

    return pl.pallas_call(
        _tc_body,
        grid=(B // BM,),
        in_specs=[
            pl.BlockSpec((BM, DP), lambda m: (m, 0)),
            pl.BlockSpec((B, DP), lambda m: (1, 0)),
        ],
        out_specs=pl.BlockSpec((BM, B), lambda m: (m, 0)),
        out_shape=jax.ShapeDtypeStruct((B, B), jnp.float32),
    )(emb, emb)

# --- scband reference (transcript-rebuilt; emitter-appended) ---
"""Pipeline reference for scband-two-tower-69887707840898 (READ-ONLY COPY).

The authoritative reference and input builder live on the scoring server;
editing this copy changes nothing except your own understanding.
"""

import jax, jax.numpy as jnp
import numpy as np

TEMP = 0.1


def setup_inputs(seed: int = 0) -> dict:
    key = jax.random.key(seed)
    k1, k2, k3, k4 = jax.random.split(key, 4)
    u_ids = jax.random.randint(k1, (4096,), 0, 7176, dtype=jnp.int64 if jax.config.jax_enable_x64 else jnp.int32)
    i_ids = jax.random.randint(k2, (4096,), 0, 10728, dtype=jnp.int64 if jax.config.jax_enable_x64 else jnp.int32)
    u_table = jax.random.normal(k3, (7176, 32), dtype=jnp.float32) * 0.02
    i_table = jax.random.normal(k4, (10728, 32), dtype=jnp.float32) * 0.02
    return {"u_ids": u_ids, "i_ids": i_ids, "u_table": u_table, "i_table": i_table}


def _l2_normalize(x, eps=1e-12):
    # Matches torch.nn.functional.normalize(p=2, dim=1): x / max(||x||_2, eps)
    norm = jnp.sqrt(jnp.sum(x * x, axis=-1, keepdims=True))
    return x / jnp.maximum(norm, eps)


def reference(u_ids, i_ids, u_table, i_table):
    u = jnp.take(u_table, u_ids, axis=0)  # embedding lookup [B, 32]
    i = jnp.take(i_table, i_ids, axis=0)  # embedding lookup [B, 32]
    u = _l2_normalize(u)
    i = _l2_normalize(i)
    logits = (u @ i.T) / TEMP
    return logits

if __name__ == "__main__":
    import jax
    _d = setup_inputs()
    print(jax.jit(kernel)(*tuple(_d.values())))

</pallas_src>

<mosaic_0001>
#map = affine_map<(d0, d1) -> (0)>
#map1 = affine_map<(d0, d1) -> (0, 0)>
module attributes {stable_mosaic.version = 14 : i64} {
  func.func @gather_k(%arg0: i32, %arg1: i32, %arg2: memref<8192xi32, #tpu.memory_space<hbm>>, %arg3: memref<17904x128xf32, #tpu.memory_space<hbm>>, %arg4: memref<8192x128xf32, #tpu.memory_space<hbm>>, %arg5: memref<256xi32, #tpu.memory_space<vmem>>, %arg6: memref<256x128xf32, #tpu.memory_space<vmem>>, %arg7: memref<!tpu.dma_semaphore, #tpu.memory_space<semaphore_mem>>, %arg8: memref<!tpu.dma_semaphore, #tpu.memory_space<semaphore_mem>>) attributes {dimension_semantics = [#tpu.dimension_semantics<core_parallel>, #tpu.dimension_semantics<subcore_parallel>], iteration_bounds = array<i64: 2, 16>, scalar_prefetch = 0 : i64, scratch_operands = 4 : i64, tpu.core_type = #tpu.core_type<sc_vector_subcore>, window_params = [{transform_indices = #map}, {transform_indices = #map1}, {transform_indices = #map1}]} {
    %mul3A = arith.constant 2 : i32
    %mul3A_0 = arith.muli %arg1, %mul3A : i32
    %add3A = arith.addi %mul3A_0, %arg0 : i32
    %mul3A_1 = arith.constant 256 : i32
    %mul3A_2 = arith.muli %add3A, %mul3A_1 : i32
    %dma_start3A = tpu.memref_slice %arg2[%mul3A_2] : memref<8192xi32, #tpu.memory_space<hbm>> -> memref<256xi32, #tpu.memory_space<hbm>>
    %dma_start3A_3 = tpu.memref_slice %arg2[%mul3A_2] : memref<8192xi32, #tpu.memory_space<hbm>> -> memref<256xi32, #tpu.memory_space<hbm>>
    tpu.enqueue_dma source(%dma_start3A_3 : memref<256xi32, #tpu.memory_space<hbm>>) target(%arg5 : memref<256xi32, #tpu.memory_space<vmem>>) target_semaphore(%arg7 : memref<!tpu.dma_semaphore, #tpu.memory_space<semaphore_mem>>)
    %dma_wait3A = tpu.memref_slice %arg2[%mul3A_2] : memref<8192xi32, #tpu.memory_space<hbm>> -> memref<256xi32, #tpu.memory_space<hbm>>
    %dma_wait3A_4 = tpu.memref_slice %arg2[%mul3A_2] : memref<8192xi32, #tpu.memory_space<hbm>> -> memref<256xi32, #tpu.memory_space<hbm>>
    tpu.wait_dma2 semaphore(%arg7 : memref<!tpu.dma_semaphore, #tpu.memory_space<semaphore_mem>>) src(%dma_wait3A_4 : memref<256xi32, #tpu.memory_space<hbm>>) dst(%arg5 : memref<256xi32, #tpu.memory_space<vmem>>)
    %dma_start3A_5 = arith.constant 0 : i32
    %dma_start3A_6 = arith.constant 0 : i32
    %dma_start3A_7 = tpu.memref_slice %arg6[%dma_start3A_5, %dma_start3A_6] : memref<256x128xf32, #tpu.memory_space<vmem>> -> memref<128x128xf32, #tpu.memory_space<vmem>>
    %dma_start3A_8 = arith.constant 0 : i32
    %dma_start3A_9 = tpu.memref_slice %arg5[%dma_start3A_8] : memref<256xi32, #tpu.memory_space<vmem>> -> memref<128xi32, #tpu.memory_space<vmem>>
    %dma_start3A_10 = arith.constant 0 : i32
    %dma_start3A_11 = arith.constant 0 : i32
    %dma_start3A_12 = tpu.memref_slice %arg3[%dma_start3A_10, %dma_start3A_11] : memref<17904x128xf32, #tpu.memory_space<hbm>> -> memref<17904x128xf32, #tpu.memory_space<hbm>>
    tpu.enqueue_indirect_dma source(%dma_start3A_12 : memref<17904x128xf32, #tpu.memory_space<hbm>>) target(%dma_start3A_7 : memref<128x128xf32, #tpu.memory_space<vmem>>) offsets(%dma_start3A_9 : memref<128xi32, #tpu.memory_space<vmem>>) semaphore(%arg8 : memref<!tpu.dma_semaphore, #tpu.memory_space<semaphore_mem>>)
    %dma_start3A_13 = arith.constant 128 : i32
    %dma_start3A_14 = arith.constant 0 : i32
    %dma_start3A_15 = tpu.memref_slice %arg6[%dma_start3A_13, %dma_start3A_14] : memref<256x128xf32, #tpu.memory_space<vmem>> -> memref<128x128xf32, #tpu.memory_space<vmem>>
    %dma_start3A_16 = arith.constant 128 : i32
    %dma_start3A_17 = tpu.memref_slice %arg5[%dma_start3A_16] : memref<256xi32, #tpu.memory_space<vmem>> -> memref<128xi32, #tpu.memory_space<vmem>>
    %dma_start3A_18 = arith.constant 0 : i32
    %dma_start3A_19 = arith.constant 0 : i32
    %dma_start3A_20 = tpu.memref_slice %arg3[%dma_start3A_18, %dma_start3A_19] : memref<17904x128xf32, #tpu.memory_space<hbm>> -> memref<17904x128xf32, #tpu.memory_space<hbm>>
    tpu.enqueue_indirect_dma source(%dma_start3A_20 : memref<17904x128xf32, #tpu.memory_space<hbm>>) target(%dma_start3A_15 : memref<128x128xf32, #tpu.memory_space<vmem>>) offsets(%dma_start3A_17 : memref<128xi32, #tpu.memory_space<vmem>>) semaphore(%arg8 : memref<!tpu.dma_semaphore, #tpu.memory_space<semaphore_mem>>)
    %dma_wait3A_21 = arith.constant 0 : i32
    %dma_wait3A_22 = arith.constant 0 : i32
    %dma_wait3A_23 = tpu.memref_slice %arg6[%dma_wait3A_21, %dma_wait3A_22] : memref<256x128xf32, #tpu.memory_space<vmem>> -> memref<128x128xf32, #tpu.memory_space<vmem>>
    %dma_wait3A_24 = arith.constant 0 : i32
    %dma_wait3A_25 = tpu.memref_slice %arg5[%dma_wait3A_24] : memref<256xi32, #tpu.memory_space<vmem>> -> memref<128xi32, #tpu.memory_space<vmem>>
    %dma_wait3A_26 = arith.constant 0 : i32
    %dma_wait3A_27 = arith.constant 0 : i32
    %dma_wait3A_28 = tpu.memref_slice %arg3[%dma_wait3A_26, %dma_wait3A_27] : memref<17904x128xf32, #tpu.memory_space<hbm>> -> memref<17904x128xf32, #tpu.memory_space<hbm>>
    tpu.wait_indirect_dma semaphore(%arg8 : memref<!tpu.dma_semaphore, #tpu.memory_space<semaphore_mem>>) src(%dma_wait3A_28 : memref<17904x128xf32, #tpu.memory_space<hbm>>) dst(%dma_wait3A_23 : memref<128x128xf32, #tpu.memory_space<vmem>>)
    %dma_wait3A_29 = arith.constant 128 : i32
    %dma_wait3A_30 = arith.constant 0 : i32
    %dma_wait3A_31 = tpu.memref_slice %arg6[%dma_wait3A_29, %dma_wait3A_30] : memref<256x128xf32, #tpu.memory_space<vmem>> -> memref<128x128xf32, #tpu.memory_space<vmem>>
    %dma_wait3A_32 = arith.constant 128 : i32
    %dma_wait3A_33 = tpu.memref_slice %arg5[%dma_wait3A_32] : memref<256xi32, #tpu.memory_space<vmem>> -> memref<128xi32, #tpu.memory_space<vmem>>
    %dma_wait3A_34 = arith.constant 0 : i32
    %dma_wait3A_35 = arith.constant 0 : i32
    %dma_wait3A_36 = tpu.memref_slice %arg3[%dma_wait3A_34, %dma_wait3A_35] : memref<17904x128xf32, #tpu.memory_space<hbm>> -> memref<17904x128xf32, #tpu.memory_space<hbm>>
    tpu.wait_indirect_dma semaphore(%arg8 : memref<!tpu.dma_semaphore, #tpu.memory_space<semaphore_mem>>) src(%dma_wait3A_36 : memref<17904x128xf32, #tpu.memory_space<hbm>>) dst(%dma_wait3A_31 : memref<128x128xf32, #tpu.memory_space<vmem>>)
    %dma_start3A_37 = arith.constant 0 : i32
    %dma_start3A_38 = tpu.memref_slice %arg4[%mul3A_2, %dma_start3A_37] : memref<8192x128xf32, #tpu.memory_space<hbm>> -> memref<256x128xf32, #tpu.memory_space<hbm>>
    %dma_start3A_39 = arith.constant 0 : i32
    %dma_start3A_40 = tpu.memref_slice %arg4[%mul3A_2, %dma_start3A_39] : memref<8192x128xf32, #tpu.memory_space<hbm>> -> memref<256x128xf32, #tpu.memory_space<hbm>>
    tpu.enqueue_dma source(%arg6 : memref<256x128xf32, #tpu.memory_space<vmem>>) target(%dma_start3A_40 : memref<256x128xf32, #tpu.memory_space<hbm>>) target_semaphore(%arg8 : memref<!tpu.dma_semaphore, #tpu.memory_space<semaphore_mem>>)
    %dma_wait3A_41 = arith.constant 0 : i32
    %dma_wait3A_42 = tpu.memref_slice %arg4[%mul3A_2, %dma_wait3A_41] : memref<8192x128xf32, #tpu.memory_space<hbm>> -> memref<256x128xf32, #tpu.memory_space<hbm>>
    %dma_wait3A_43 = arith.constant 0 : i32
    %dma_wait3A_44 = tpu.memref_slice %arg4[%mul3A_2, %dma_wait3A_43] : memref<8192x128xf32, #tpu.memory_space<hbm>> -> memref<256x128xf32, #tpu.memory_space<hbm>>
    tpu.wait_dma2 semaphore(%arg8 : memref<!tpu.dma_semaphore, #tpu.memory_space<semaphore_mem>>) src(%arg6 : memref<256x128xf32, #tpu.memory_space<vmem>>) dst(%dma_wait3A_44 : memref<256x128xf32, #tpu.memory_space<hbm>>)
    return
  }
}

module attributes {stable_mosaic.version = 14 : i64} {
  func.func @_prep_body(%arg0: memref<32x7176xf32, #tpu.memory_space<vmem>>, %arg1: memref<32x10728xf32, #tpu.memory_space<vmem>>, %arg2: memref<4096xi32, #tpu.memory_space<vmem>>, %arg3: memref<4096xi32, #tpu.memory_space<vmem>>, %arg4: memref<17904x128xf32, #tpu.memory_space<vmem>>, %arg5: memref<8192xi32, #tpu.memory_space<vmem>>) attributes {dimension_semantics = [], scalar_prefetch = 0 : i64, scratch_operands = 0 : i64, tpu.core_type = #tpu.core_type<tc>} {
    %get3A = arith.constant 0 : index
    %get3A_0 = arith.constant 0 : index
    %get3A_1 = vector.load %arg0[%get3A, %get3A_0] : memref<32x7176xf32, #tpu.memory_space<vmem>>, vector<32x7176xf32>
    %mul3A = arith.mulf %get3A_1, %get3A_1 : vector<32x7176xf32>
    %reduce_sum3A = arith.constant dense<0.000000e+00> : vector<7176xf32>
    %reduce_sum3A_2 = vector.multi_reduction <add>, %mul3A, %reduce_sum3A [0] : vector<32x7176xf32> to vector<7176xf32>
    %broadcast_in_dim3A = vector.shape_cast %reduce_sum3A_2 : vector<7176xf32> to vector<1x7176xf32>
    %sqrt3A = math.sqrt %broadcast_in_dim3A : vector<1x7176xf32>
    %max3A = arith.constant 9.99999996E-13 : f32
    %max3A_3 = vector.broadcast %max3A : f32 to vector<1x7176xf32>
    %max3A_4 = arith.maximumf %sqrt3A, %max3A_3 : vector<1x7176xf32>
    %div3A = vector.broadcast %max3A_4 : vector<1x7176xf32> to vector<32x7176xf32>
    %div3A_5 = arith.divf %get3A_1, %div3A : vector<32x7176xf32>
    %transpose3A = tpu.transpose %div3A_5, [1, 0] : vector<32x7176xf32> -> vector<7176x32xf32>
    %swap3A = arith.constant 0 : index
    %swap3A_6 = arith.constant 0 : index
    %swap3A_7 = vector.load %arg4[%swap3A, %swap3A_6] : memref<17904x128xf32, #tpu.memory_space<vmem>>, vector<7176x32xf32>
    tpu.vector_store %arg4[%swap3A, %swap3A_6], %transpose3A {strides = array<i32>} : memref<17904x128xf32, #tpu.memory_space<vmem>>, vector<7176x32xf32>,
    %get3A_8 = arith.constant 0 : index
    %get3A_9 = arith.constant 0 : index
    %get3A_10 = vector.load %arg1[%get3A_8, %get3A_9] : memref<32x10728xf32, #tpu.memory_space<vmem>>, vector<32x10728xf32>
    %mul3A_11 = arith.mulf %get3A_10, %get3A_10 : vector<32x10728xf32>
    %reduce_sum3A_12 = arith.constant dense<0.000000e+00> : vector<10728xf32>
    %reduce_sum3A_13 = vector.multi_reduction <add>, %mul3A_11, %reduce_sum3A_12 [0] : vector<32x10728xf32> to vector<10728xf32>
    %broadcast_in_dim3A_14 = vector.shape_cast %reduce_sum3A_13 : vector<10728xf32> to vector<1x10728xf32>
    %sqrt3A_15 = math.sqrt %broadcast_in_dim3A_14 : vector<1x10728xf32>
    %max3A_16 = arith.constant 9.99999996E-13 : f32
    %max3A_17 = vector.broadcast %max3A_16 : f32 to vector<1x10728xf32>
    %max3A_18 = arith.maximumf %sqrt3A_15, %max3A_17 : vector<1x10728xf32>
    %div3A_19 = vector.broadcast %max3A_18 : vector<1x10728xf32> to vector<32x10728xf32>
    %div3A_20 = arith.divf %get3A_10, %div3A_19 : vector<32x10728xf32>
    %transpose3A_21 = tpu.transpose %div3A_20, [1, 0] : vector<32x10728xf32> -> vector<10728x32xf32>
    %swap3A_22 = arith.constant 7176 : index
    %swap3A_23 = arith.constant 0 : index
    %swap3A_24 = vector.load %arg4[%swap3A_22, %swap3A_23] : memref<17904x128xf32, #tpu.memory_space<vmem>>, vector<10728x32xf32>
    tpu.vector_store %arg4[%swap3A_22, %swap3A_23], %transpose3A_21 {strides = array<i32>} : memref<17904x128xf32, #tpu.memory_space<vmem>>, vector<10728x32xf32>,
    %get3A_25 = arith.constant 0 : index
    %get3A_26 = vector.load %arg2[%get3A_25] : memref<4096xi32, #tpu.memory_space<vmem>>, vector<4096xi32>
    %swap3A_27 = arith.constant 0 : index
    %swap3A_28 = vector.load %arg5[%swap3A_27] : memref<8192xi32, #tpu.memory_space<vmem>>, vector<4096xi32>
    tpu.vector_store %arg5[%swap3A_27], %get3A_26 {strides = array<i32>} : memref<8192xi32, #tpu.memory_space<vmem>>, vector<4096xi32>,
    %get3A_29 = arith.constant 0 : index
    %get3A_30 = vector.load %arg3[%get3A_29] : memref<4096xi32, #tpu.memory_space<vmem>>, vector<4096xi32>
    %add3A = arith.constant 7176 : i32
    %add3A_31 = vector.broadcast %add3A : i32 to vector<4096xi32>
    %add3A_32 = arith.addi %get3A_30, %add3A_31 : vector<4096xi32>
    %swap3A_33 = arith.constant 4096 : index
    %swap3A_34 = vector.load %arg5[%swap3A_33] : memref<8192xi32, #tpu.memory_space<vmem>>, vector<4096xi32>
    tpu.vector_store %arg5[%swap3A_33], %add3A_32 {strides = array<i32>} : memref<8192xi32, #tpu.memory_space<vmem>>, vector<4096xi32>,
    return
  }
}

module attributes {stable_mosaic.version = 14 : i64} {
  func.func @_tc_body(%arg0: i32, %arg1: memref<512x128xf32, #tpu.memory_space<vmem>>, %arg2: memref<4096x128xf32, #tpu.memory_space<vmem>>, %arg3: memref<512x4096xf32, #tpu.memory_space<vmem>>) attributes {dimension_semantics = [#tpu.dimension_semantics<arbitrary>], iteration_bounds = array<i64: 8>, scalar_prefetch = 0 : i64, scratch_operands = 0 : i64, tpu.core_type = #tpu.core_type<tc>, window_params = [{transform_indices = @transform_0, window_bounds = array<i64: 512, 128>}, {transform_indices = @transform_1, window_bounds = array<i64: 4096, 128>}, {transform_indices = @transform_2, window_bounds = array<i64: 512, 4096>}]} {
    %get3A = arith.constant 0 : index
    %get3A_0 = arith.constant 0 : index
    %get3A_1 = vector.load %arg1[%get3A, %get3A_0] : memref<512x128xf32, #tpu.memory_space<vmem>>, vector<512x32xf32>
    %get3A_2 = arith.constant 0 : index
    %get3A_3 = arith.constant 0 : index
    %get3A_4 = vector.load %arg2[%get3A_2, %get3A_3] : memref<4096x128xf32, #tpu.memory_space<vmem>>, vector<4096x32xf32>
    %dot_general3A = arith.constant dense<0.000000e+00> : vector<512x4096xf32>
    %dot_general3A_5 = tpu.matmul %get3A_1, %get3A_4, %dot_general3A {dimension_numbers = #tpu.dot_dimension_numbers<[1], [1], [0], [0], [0, 0, 1, 0], [], []>, transpose_lhs_hint = false} : vector<512x32xf32>, vector<4096x32xf32>, vector<512x4096xf32> -> vector<512x4096xf32>
    %mul3A = arith.constant 1.000000e+01 : f32
    %mul3A_6 = vector.broadcast %mul3A : f32 to vector<512x4096xf32>
    %mul3A_7 = arith.mulf %dot_general3A_5, %mul3A_6 : vector<512x4096xf32>
    %swap3A = arith.constant 0 : index
    %swap3A_8 = arith.constant 0 : index
    %swap3A_9 = vector.load %arg3[%swap3A, %swap3A_8] : memref<512x4096xf32, #tpu.memory_space<vmem>>, vector<512x4096xf32>
    tpu.vector_store %arg3[%swap3A, %swap3A_8], %mul3A_7 {strides = array<i32>} : memref<512x4096xf32, #tpu.memory_space<vmem>>, vector<512x4096xf32>,
    return
  }
  func.func @transform_0(%arg0: i32) -> (i32, i32) {
    %c0_i32 = arith.constant 0 : i32
    %c0_i32_0 = arith.constant 0 : i32
    return %arg0, %c0_i32 : i32, i32
  }
  func.func @transform_1(%arg0: i32) -> (i32, i32) {
    %c1_i32 = arith.constant 1 : i32
    %c0_i32 = arith.constant 0 : i32
    %c0_i32_0 = arith.constant 0 : i32
    return %c1_i32, %c0_i32 : i32, i32
  }
  func.func @transform_2(%arg0: i32) -> (i32, i32) {
    %c0_i32 = arith.constant 0 : i32
    %c0_i32_0 = arith.constant 0 : i32
    return %arg0, %c0_i32 : i32, i32
  }
}

</mosaic_0001>

<sc_bundles>
// kernel: kernel.5.cloned.1.call-start
scs
__scs_entry_jumppad:
0x0: {  	(pc) =	sbr.rel $0x88, $3  }
0x1: {  	(tag) =	ssettag $0x0;
	lr =	simm.s32 $0x1  }
0x2: {  	[smem:$0x3F9D] =	sst lr;
	_ =	strace $0xD0000000  }
0x3: {  	_ = 	snop  }
0x4: {  	_ = 	snop  }
0x5: {  	_ = 	snop  }
0x6: {  	_ = 	snop  }
0x7: {  	_ = 	snop  }
__scs_overlays_trampoline_lowered:
0x8: {  	[smem:$0x3FAC] =	sst s0  }
0x9: {  	[smem:$0x3FAD] =	sst s1  }
0xa: {  	[smem:$0x3FAE] =	sst s2  }
0xb: {  	[smem:$0x3FAF] =	sst s3  }
0xc: {  	[smem:$0x3FB0] =	sst s4  }
0xd: {  	[smem:$0x3FB1] =	sst s5  }
0xe: {  	[smem:$0x3FB2] =	sst s6  }
0xf: {  	[smem:$0x3FB3] =	sst s7  }
0x10: {  	[smem:$0x3FB4] =	sst s8  }
0x11: {  	[smem:$0x3FB5] =	sst s9;
	s0 =	simm.s32 @!p0 $0x0  }
0x12: {  	s1 =	sld [smem:$0x3F9B];
	s0 =	simm.s32 @p0 $0x1  }
0x13: {  	[smem:$0x3FB6] =	sst s0;
	s0 =	simm.s32 @!p1 $0x0  }
0x14: {  	s2 =	sld [smem:$0x3F9A];
	s0 =	simm.s32 @p1 $0x1  }
0x15: {  	[smem:$0x3FB7] =	sst s0;
	s0 =	simm.s32 @!p2 $0x0  }
0x16: {  	s3 =	sld [smem:$0x3FDB];
	s0 =	simm.s32 @p2 $0x1  }
0x17: {  	s4 =	simm.s32 $0x1BF5;
	[smem:$0x3FB9] =	sst s0  }
0x18: {  	s0 =	sld [smem:$0x3F9C];
	_ =	swait.ge [sflag:s4], $0x0  }
0x19: {  	s7 =	sld [smem:$0x3F9D]  }
0x1a: {  	s8 =	sadd.s32 $0xFFFFE003, lr  }
0x1b: {  	s9 =	sadd.s32 $0xFFFFFEF7, lr;
	s5 =	simm.s32 $0xFFFFFFFF;
	p2 =	slt.u32 s8, $0xFFFFF086  }
0x1c: {  	p1 =	slt.u32 s9, $0xF7A;
	s5 =	simm.s32 @!p2 $0x0  }
0x1d: {  	s5 =	simm.s32 @p1 $0x1;
	p0 =	seq.s32 s7, s2  }
0x1e: {  	s7 =	smul.u32 @!p0 $0xF7A, s2;
	p2 =	seq.s32 @!p0 s5, $0x0  }
0x1f: {  	s9 =	smul.u32 $0xF7A, s1;
	s8 =	simm.s32 @!p0 $0x1BF5;
	p2 =	por !p2, p0  }
0x20: {  	[sflag:s8] =	ssyncset.s32 @!p0 $0xFFFFF086;
	s6 =	sadd.s32 @!p0 s3, s7;
	s7 =	simm.s32 @!p0 $0x108  }
0x21: {  	s3 =	sadd.s32 s3, s9;
	s6 =	sadd.s32 @!p0 $0x88, s6;
	s7 =	simm.s32 @p2 $0x1082  }
0x22: {  	[simem:s7], [sflag:s8] =	dma.local @!p0 [hbm:s6], $0xF7A  }
0x23: {  	s9 =	sor.u32 $0xD0000000, s2;
	s6 =	simm.s32 $0x108;
	_ =	swait.ge @!p0 [sflag:s8], $0x0  }
0x24: {  	s3 =	sadd.s32 $0x88, s3;
	s6 =	simm.s32 @!p1 $0x1082;
	[sflag:s4] =	ssyncset.s32 $0xFFFFF086  }
0x25: {  	[simem:s6], [sflag:s4] =	dma.local [hbm:s3], $0xF7A  }
0x26: {  	[smem:$0x3F9D] =	sst s1;
	(tag) =	ssettag s2;
	_ =	strace s9  }
0x27: {  	s1 =	sld [smem:$0x3FAD]  }
0x28: {  	s2 =	sld [smem:$0x3FAE]  }
0x29: {  	s4 =	sld [smem:$0x3FB0]  }
0x2a: {  	p0 =	seq.s32 s5, $0x0;
	s5 =	sld [smem:$0x3FB1]  }
0x2b: {  	s6 =	sld [smem:$0x3FB2]  }
0x2c: {  	s7 =	sld [smem:$0x3FB3]  }
0x2d: {  	s3 =	simm.s32 $0x108;
	s8 =	sld [smem:$0x3FB4]  }
0x2e: {  	s3 =	simm.s32 @!p0 $0x1082;
	s9 =	sld [smem:$0x3FB5]  }
0x2f: {  	lr =	sadd.s32 s0, s3;
	s0 =	sld [smem:$0x3FAC]  }
0x30: {  	s3 =	sld [smem:$0x3FAF]  }
0x31: {  	[smem:$0x3FB8] =	sst s10  }
0x32: {  	s10 =	sld [smem:$0x3FB6];
	_ =	sdelay $0x3  }
0x33: {  	p0 =	seq.s32 s10, $0x1;
	s10 =	sld [smem:$0x3FB8];
	_ =	sdelay $0x3  }
0x34: {  	[smem:$0x3FB8] =	sst s10  }
0x35: {  	s10 =	sld [smem:$0x3FB7];
	_ =	sdelay $0x3  }
0x36: {  	p1 =	seq.s32 s10, $0x1;
	s10 =	sld [smem:$0x3FB8];
	_ =	sdelay $0x3  }
0x37: {  	[smem:$0x3FB8] =	sst s10  }
0x38: {  	s10 =	sld [smem:$0x3FB9]  }
0x39: {  	_ = 	snop;
	(pc) =	sbr.ind lr, $3  }
0x3a: {  	_ = 	snop  }
0x3b: {  	_ = 	snop  }
0x3c: {  	p2 =	seq.s32 s10, $0x1;
	s10 =	sld [smem:$0x3FB8]  }
0x3d: {  	_ =	shalt  }
0x3e: {  	_ =	shalt  }
0x3f: {  	_ =	shalt  }
0x40: {  	_ =	shalt  }
0x41: {  	_ =	shalt  }
0x42: {  	_ =	shalt  }
0x43: {  	_ =	shalt  }
0x44: {  	_ =	shalt  }
0x45: {  	_ =	shalt  }
0x46: {  	_ =	shalt  }
0x47: {  	_ =	shalt  }
0x48: {  	_ =	shalt  }
0x49: {  	_ =	shalt  }
0x4a: {  	_ =	shalt  }
0x4b: {  	_ =	shalt  }
0x4c: {  	_ =	shalt  }
0x4d: {  	_ =	shalt  }
0x4e: {  	_ =	shalt  }
0x4f: {  	_ =	shalt  }
0x50: {  	_ =	shalt  }
0x51: {  	_ =	shalt  }
0x52: {  	_ =	shalt  }
0x53: {  	_ =	shalt  }
0x54: {  	_ =	shalt  }
0x55: {  	_ =	shalt  }
0x56: {  	_ =	shalt  }
0x57: {  	_ =	shalt  }
0x58: {  	_ =	shalt  }
0x59: {  	_ =	shalt  }
0x5a: {  	_ =	shalt  }
0x5b: {  	_ =	shalt  }
0x5c: {  	_ =	shalt  }
0x5d: {  	_ =	shalt  }
0x5e: {  	_ =	shalt  }
0x5f: {  	_ =	shalt  }
0x60: {  	_ =	shalt  }
0x61: {  	_ =	shalt  }
0x62: {  	_ =	shalt  }
0x63: {  	_ =	shalt  }
0x64: {  	_ =	shalt  }
0x65: {  	_ =	shalt  }
0x66: {  	_ =	shalt  }
0x67: {  	_ =	shalt  }
0x68: {  	_ =	shalt  }
0x69: {  	_ =	shalt  }
0x6a: {  	_ =	shalt  }
0x6b: {  	_ =	shalt  }
0x6c: {  	_ =	shalt  }
0x6d: {  	_ =	shalt  }
0x6e: {  	_ =	shalt  }
0x6f: {  	_ =	shalt  }
0x70: {  	_ =	shalt  }
0x71: {  	_ =	shalt  }
0x72: {  	_ =	shalt  }
0x73: {  	_ =	shalt  }
0x74: {  	_ =	shalt  }
0x75: {  	_ =	shalt  }
0x76: {  	_ =	shalt  }
0x77: {  	_ =	shalt  }
0x78: {  	_ =	shalt  }
0x79: {  	_ =	shalt  }
0x7a: {  	_ =	shalt  }
0x7b: {  	_ =	shalt  }
0x7c: {  	_ =	shalt  }
0x7d: {  	_ =	shalt  }
0x7e: {  	_ =	shalt  }
0x7f: {  	_ =	shalt  }
0x80: {  	_ =	shalt  }
0x81: {  	_ =	shalt  }
0x82: {  	_ =	shalt  }
0x83: {  	_ =	shalt  }
0x84: {  	_ =	shalt  }
0x85: {  	_ =	shalt  }
0x86: {  	_ =	shalt  }
0x87: {  	_ =	shalt  }
.Lfunc_end0:
.L_simem_size_0:
called_computation_lowered:
.L_overlay_start_0:
0x88: {  	s2 =	sld [smem:$0x3FD9]  }
0x89: {  	s3 =	sld [smem:$0x3FFE];
	_ =	sdelay $0x1  }
0x8a: {  	s1 =	srdreg.scid  }
0x8b: {  	s0 =	sand.u32 $0x1, s1  }
0x8c: {  	s17 =	sshll.u32 s0, $0xA;
	s2 =	sadd.s32 s3, s2  }
0x8d: {  	s2 =	sadd.s32 s2, s17  }
0x8e: {  	[smem:$0x3FC4] =	sst s2  }
0x8f: {  	_ = 	snop  }
0x90: {  	s2 =	sld [smem:$0x3FD0];
	(tm) =	ssettm $0x1  }
0x91: {  	s18 =	sld [smem:$0x3FFB];
	_ =	sdelay $0x3  }
0x92: {  	_ =	strace s18  }
0x93: {  	s3 =	sld [smem:$0x3FFC];
	_ =	sdelay $0x3  }
0x94: {  	_ =	strace s3  }
0x95: {  	s3 =	sld [smem:$0x3FFD];
	_ =	sdelay $0x3  }
0x96: {  	_ =	strace s3  }
0x97: {  	_ =	strace $0x8FFFFFFF  }
0x98: {  	s19 =	sld [smem:$0x3FDB];
	_ =	sdelay $0x1  }
0x99: {  	s4 =	simm.s32 $_scs_section_size  }
0x9a: {  	s5 =	simm.s32 $_size__tile_overlayer_lowered;
	s6 =	simm.s32 $_tile_overlayer_lowered  }
0x9b: {  	s22 =	simm.s32 $0x1BFF;
	s21 =	sshll.u32 s6, $0x1;
	s3 =	sadd.s32 s4, s19  }
0x9c: {  	s7 =	simm.s32 $0x0;
	s20 =	sshll.u32 s5, $0x1;
	s5 =	sadd.s32 s21, s3  }
0x9d: {  	[timem:s7], [sflag:s22] =	dma.local [hbm:s5], s20  }
0x9e: {  	_ =	swait.ge [sflag:s22], s20  }
0x9f: {  	s4 =	ssub.s32 $0x0, s20;
	[sflag:s22] =	ssyncset.done $0x0  }
0xa0: {  	[sflag:s22] =	ssyncadd.s32 s4;
	_ =	sdelay $0x1  }
0xa1: {  	s23 =	simm.s32 $0x1B8B  }
0xa2: {  	_ =	swait.ge [sflag:s23], $0x1  }
0xa3: {  	[sflag:s23] =	ssyncset.done $0x0  }
0xa4: {  	s25 =	simm.s32 $0x1B8E;
	s24 =	sld [smem:$0x3FFE];
	[sflag:s23] =	ssyncadd.s32 $0xFFFFFFFF  }
0xa5: {  	s26 =	simm.s32 $execute0_lowered;
	[smem:$0x3FD2] =	sst s25  }
0xa6: {  	s5 =	sshll.u32 s26, $0x1;
	_ =	strace $0x80000046;
	[dreg:$0x1] =	wrdreg $0xFFFFFFFF  }
0xa7: {  	s28 =	simm.s32 $_size_execute0_lowered;
	s3 =	sadd.s32 s3, s5;
	[dreg:$0x0] =	wrdreg $0x0  }
0xa8: {  	s5 =	sshll.u32 s28, $0x1;
	[dreg:$0x2] =	wrdreg s3  }
0xa9: {  	[dreg:$0x3] =	wrdreg s5  }
0xaa: {  	[dreg:$0x4] =	wrdreg $0xC0  }
0xab: {  	_ =	task [dreg:s7], $0x5FFFF  }
0xac: {  	[dreg:$0x1] =	wrdreg $0xFFFFFFFF  }
0xad: {  	[dreg:$0x0] =	wrdreg $0x60  }
0xae: {  	[dreg:$0x2] =	wrdreg s24  }
0xaf: {  	[dreg:$0x3] =	wrdreg s2  }
0xb0: {  	[dreg:$0x4] =	wrdreg $0x9  }
0xb1: {  	_ =	task.clear_ibuf [dreg:s7], $0x5FFFF;
	_ =	strace $0x90000046  }
0xb2: {  	s29 =	simm.s32 $0x9;
	_ =	strace $0x80000048  }
0xb3: {  	_ =	swait.ge [sflag:s29], $0x1  }
0xb4: {  	[sflag:s29] =	ssyncadd.s32 $0xFFFFFFFF  }
0xb5: {  	_ =	strace $0x90000048  }
0xb6: {  	_ =	sfence  }
0xb7: {  	s30 =	sld [smem:$0x0];
	_ =	sdelay $0x2  }
0xb8: {  	s31 =	sshll.u32 s1, $0xD;
	s1 =	sshrl.u32 s1, $0x2  }
0xb9: {  	s3 =	sand.u32 $0x4000, s31;
	s1 =	sadd.s32 s1, s30  }
0xba: {  	s0 =	sor.u32 s3, s0;
	s1 =	sshll.u32 s1, $0x11  }
0xbb: {  	s0 =	sor.u32 s1, s0  }
0xbc: {  	s0 =	sadd.s32 $0x8F2B, s0  }
0xbd: {  	[sflag:s0] =	ssyncadd.remote.s32 $0x1  }
0xbe: {  	_ =	sfence.sel $0xFFFF  }
0xbf: {  	[dreg:$0x0] =	wrdreg $0xFFFFFFFF;
	(pc) =	sbr.abs _section_cstart, $3  }
0xc0: {  	[dreg:$0x1] =	wrdreg $0xFFFFFFFF  }
0xc1: {  	_ =	task.clear_ibuf [dreg:s7], $0x2FFFF;
	_ =	strace $0x9FFFFFFF  }
0xc2: {  	(tm) =	ssettm $0x7FFFFFFF  }
0xc3: {  	_ =	shalt  }
tec
execute0_lowered:
.L_overlay_start_1:
0x0: {  	(tag) =	ssettag $0x1  }
0x1: {  	s1 =	srdreg.scid  }
0x2: {  	s0 =	stileid.u32;
	s10 =	sand.u32 $0x1, s1  }
0x3: {  	s29 =	sshll.u32 s0, $0x9;
	s3 =	sshll.u32 s10, $0x8  }
0x4: {  	s11 =	rddreg [dreg:$0x0];
	s12 =	sor.u32 s3, s29  }
0x5: {  	s2 =	rddreg [dreg:$0x1];
	s3 =	simm.s32 $0x0;
	s4 =	sshrl.u32 s12, $0x3  }
0x6: {  	s5 =	simm.s32 $0x1;
	[smem:$0x7FF] =	sst s3;
	s4 =	sadd.s32 s4, s11  }
0x7: {  	s1 =	rddreg [dreg:$0x2];
	_ =	strace $0x80000047;
	s4 =	sadd.s32 $0x1400, s4  }
0x8: {  	[tilespmem:s3], [sflag:$0x1] =	stream.linear.gather [hbm4b:s4+s3], $0x100, $0x38;
	[tilespmem:$0x8100] =	vst v63  }
0x9: {  	_ =	swait.ge [sflag:s5], $0x100  }
0xa: {  	[sflag:s5] =	ssyncset.done $0x0  }
0xb: {  	s6 =	simm.s32 $0x80;
	s7 =	simm.s32 $0x100;
	[sflag:s5] =	ssyncadd.s32 $0xFFFFFF00  }
0xc: {  	[tilespmem:s7], [sflag:$0x2] =	stream.indirect.gather [hbm4b:s2+s6], $0x80, s3, s6, $0xb8;
	[tilespmem:$0x8100] =	vst v63  }
0xd: {  	s9 =	simm.s32 $0x4100;
	s8 =	simm.s32 $0x2;
	s10 =	ssub.s32 $0x2, s10  }
0xe: {  	[tilespmem:s9], [sflag:$0x2] =	stream.indirect.gather [hbm4b:s2+s6], $0x80, s6, s6, $0xb8;
	[tilespmem:$0x8100] =	vst v63  }
0xf: {  	s13 =	sshrl.u32 s10, $0x1;
	_ =	swait.ge [sflag:s8], $0x4000  }
0x10: {  	s30 =	ssub.s32 s10, s13;
	[sflag:s8] =	ssyncset.done $0x0  }
0x11: {  	s31 =	smax.u32 s30, $0x1;
	[sflag:s8] =	ssyncadd.s32 $0xFFFFC000  }
0x12: {  	s12 =	sshll.u32 s12, $0x4;
	p0 =	sne.s32 s31, $0x1;
	_ =	swait.ge [sflag:s8], $0x4000  }
.Ltmp0:
0x13: {  	s11 =	sadd.s32 s12, s11;
	[sflag:s8] =	ssyncset.done $0x0;
	(pc) =	sbr.rel @!p0 .LBB2_2-.Ltmp0, $4  }
0x14: {  	s10 =	sadd.s32 $0x1800, s11;
	[sflag:s8] =	ssyncadd.s32 $0xFFFFC000  }
0x15: {  	[hbm4b:s10+s3] =	stream.linear.scatter [tilespmem:s7], [sflag:$0x2], $0x8000, $0x38;
	[tilespmem:$0x8100] =	vst v63  }
0x16: {  	_ =	swait.ge [sflag:s8], $0x8000  }
0x17: {  	s11 =	sadd.s32 $0xFFFFFFFF, s31;
	[sflag:s8] =	ssyncset.done $0x0  }
.LBB2_1:
0x18: {  	p0 =	sne.s32 s11, $0x1;
	s11 =	sadd.s32 $0xFFFFFFFF, s11;
	[sflag:s8] =	ssyncadd.s32 $0xFFFF8000  }
0x19: {  	[tilespmem:s3], [sflag:$0x1] =	stream.linear.gather [hbm4b:s4+s3], $0x100, $0x38;
	[tilespmem:$0x8100] =	vst v63  }
0x1a: {  	_ =	swait.ge [sflag:s5], $0x100  }
0x1b: {  	[sflag:s5] =	ssyncset.done $0x0  }
0x1c: {  	[sflag:s5] =	ssyncadd.s32 $0xFFFFFF00  }
0x1d: {  	[tilespmem:s7], [sflag:$0x2] =	stream.indirect.gather [hbm4b:s2+s6], $0x80, s3, s6, $0xb8;
	[tilespmem:$0x8100] =	vst v63  }
0x1e: {  	_ = 	snop  }
0x1f: {  	[tilespmem:s9], [sflag:$0x2] =	stream.indirect.gather [hbm4b:s2+s6], $0x80, s6, s6, $0xb8;
	[tilespmem:$0x8100] =	vst v63  }
0x20: {  	_ =	swait.ge [sflag:s8], $0x4000  }
0x21: {  	[sflag:s8] =	ssyncset.done $0x0  }
0x22: {  	[sflag:s8] =	ssyncadd.s32 $0xFFFFC000  }
0x23: {  	_ =	swait.ge [sflag:s8], $0x4000  }
.Ltmp1:
0x24: {  	[sflag:s8] =	ssyncset.done $0x0;
	(pc) =	sbr.rel @p0 .LBB2_1-.Ltmp1, $4  }
0x25: {  	[sflag:s8] =	ssyncadd.s32 $0xFFFFC000  }
0x26: {  	[hbm4b:s10+s3] =	stream.linear.scatter [tilespmem:s7], [sflag:$0x2], $0x8000, $0x38;
	[tilespmem:$0x8100] =	vst v63  }
0x27: {  	_ =	swait.ge [sflag:s8], $0x8000  }
0x28: {  	[sflag:s8] =	ssyncset.done $0x0  }
.LBB2_2:
0x29: {  	[sflag:s8] =	ssyncadd.s32 $0xFFFF8000  }
0x2a: {  	_ =	sfence.sel $0x180000  }
0x2b: {  	[bflag:$0x0] =	sbarrier.arrive $0xFFFF  }
0x2c: {  	p0 =	sne.s32 s0, $0x0;
	_ =	strace $0x90000047  }
0x2d: {  	s0 =	sadd.s32 @!p0 $0x100000, s1;
	[bflag:$0x2] =	sbarrier.arrive $0xFFFF  }
0x2e: {  	[sflag:s0] =	ssyncadd.tile.s32 @!p0 $0x1;
	_ =	shalt  }
.Lfunc_end2:
_tile_overlayer_lowered:
.L_overlay_start_2:
0x2f: {  	(tag) =	ssettag $0x2  }
0x30: {  	s0 =	rddreg [dreg:$0x0];
	s2 =	stileid.u32  }
0x31: {  	s1 =	rddreg [dreg:$0x1];
	p0 =	sne.s32 s2, $0x0  }
0x32: {  	s3 =	rddreg [dreg:$0x2];
	[bflag:$0x3] =	sbarrier.arrive $0xFFFF;
	s2 =	simm.s32 @!p0 $0x1C03  }
0x33: {  	[timem:s3], [sflag:s2] =	dma.local @!p0 [hbm:s0], s1  }
0x34: {  	s0 =	simm.s32 @!p0 $0x3  }
0x35: {  	_ =	swait.ge @!p0 [sflag:s0], s1  }
0x36: {  	s1 =	ssub.s32 @!p0 $0x0, s1;
	[sflag:s0] =	ssyncset.done @!p0 $0x0  }
0x37: {  	[sflag:s0] =	ssyncadd.s32 @!p0 s1  }
0x38: {  	[bflag:$0x3] =	sbarrier.arrive $0xFFFF  }
0x39: {  	_ =	shalt  }

</sc_bundles>
